<compile_context>
chip_gen: v7x
topology: tpu7x:2x2x1
jax: 0.10.2.dev20260603
libtpu: 0.0.44.dev20260713+nightly
codegen_flags: <defaults>
</compile_context>

<pallas_src>
import functools

import jax
import jax.numpy as jnp
from jax import lax
from jax.experimental import pallas as pl
from jax.experimental.pallas import tpu as pltpu
from jax.experimental.pallas import tpu_sc as plsc

B, C, H, W = 4, 19, 512, 512
HW = H * W
P = B * HW
NB = 512
EMAX = 8.0
SCALE = NB / EMAX
MIDSHIFT = 0.5
CPAD = 24
ROWS = 2 * CPAD
RN = ROWS * NB
NC, NS, L = 2, 16, 16
NW = NC * NS
PPW = P // NW
TPB = NW // B
CHUNK = 16384

_mesh = plsc.VectorSubcoreMesh(core_axis_name="c", subcore_axis_name="s")


@functools.partial(
    pl.kernel,
    out_type=jax.ShapeDtypeStruct((NW, RN), jnp.float32),
    mesh=_mesh,
    scratch_types=[
        pltpu.VMEM((PPW,), jnp.int32),
        pltpu.VMEM((2 * CHUNK,), jnp.float32),
        pltpu.VMEM((2 * RN,), jnp.float32),
        pltpu.SemaphoreType.DMA,
    ],
    compiler_params=pltpu.CompilerParams(needs_layout_passes=False),
)
def _sc_hist(logits_hbm, labels_hbm, cnt_out, lab_v, log_v, cnt_v, dma_sem):
    wid = lax.axis_index("s") * NC + lax.axis_index("c")
    b = wid // TPB
    hw0 = (wid % TPB) * PPW

    zeros = jnp.zeros((L,), jnp.float32)

    def zloop(j, carry):
        cnt_v[pl.ds(j * L, L)] = zeros
        return carry

    lax.fori_loop(0, 2 * RN // L, zloop, 0)

    pltpu.sync_copy(labels_hbm.at[b, pl.ds(hw0, PPW)], lab_v)
    ones = jnp.full((L,), 1.0, jnp.float32)

    NCHUNK = PPW // CHUNK
    NQ = C * NCHUNK

    def start_fetch(q):
        c = q // NCHUNK
        off = (q % NCHUNK) * CHUNK
        pltpu.async_copy(
            logits_hbm.at[b, c, pl.ds(hw0 + off, CHUNK)],
            log_v.at[pl.ds((q % 2) * CHUNK, CHUNK)],
            dma_sem)

    start_fetch(0)

    def step(q, carry):
        pltpu.make_async_copy(
            logits_hbm.at[b, 0, pl.ds(hw0, CHUNK)],
            log_v.at[pl.ds(0, CHUNK)],
            dma_sem).wait()

        @pl.when(q + 1 < NQ)
        def _():
            start_fetch(q + 1)

        c = q // NCHUNK
        off = (q % NCHUNK) * CHUNK
        lbase = (q % 2) * CHUNK
        cbase = c * NB

        @plsc.parallel_loop(0, CHUNK // L, step=1, unroll=8)
        def _(j):
            pvals = log_v[pl.ds(lbase + j * L, L)]
            lvals = lab_v[pl.ds(off + j * L, L)]
            isfg = lvals == c
            e = jnp.abs(jnp.where(isfg, 1.0, 0.0) - pvals)
            t = jnp.minimum((e * SCALE).astype(jnp.int32), NB - 1)
            sub = (j % 2) * RN
            idx = jnp.where(isfg, CPAD * NB, 0) + (cbase + sub) + t
            plsc.addupdate_scatter(cnt_v, [idx], ones)

        return carry

    lax.fori_loop(0, NQ, step, 0)

    def merge(j, carry):
        a = cnt_v[pl.ds(j * L, L)]
        b2 = cnt_v[pl.ds(RN + j * L, L)]
        cnt_v[pl.ds(j * L, L)] = a + b2
        return carry

    lax.fori_loop(0, RN // L, merge, 0)
    pltpu.sync_copy(cnt_v.at[pl.ds(0, RN)], cnt_out.at[wid])


def _tc_finalize(cnt_ref, out_ref):
    cnt = jnp.sum(cnt_ref[...], axis=0)
    nb = cnt[:CPAD]
    nf = cnt[CPAD:]
    mid = (lax.broadcasted_iota(jnp.int32, (CPAD, NB), 1).astype(jnp.float32)
           + MIDSHIFT) / SCALE
    sb = nb * mid
    sf = nf * mid
    ii = lax.broadcasted_iota(jnp.int32, (NB, NB), 0)
    jj = lax.broadcasted_iota(jnp.int32, (NB, NB), 1)
    tri = (ii <= jj).astype(jnp.float32)
    anb = jnp.dot(nb, tri, preferred_element_type=jnp.float32)
    anf = jnp.dot(nf, tri, preferred_element_type=jnp.float32)
    tb = jnp.sum(nb, axis=1, keepdims=True)
    g = jnp.sum(nf, axis=1, keepdims=True)
    m = tb - anb
    f = g - anf
    den1 = jnp.maximum(g + m + 0.5 * nb, 0.5)
    q = g + m + 0.5 * (nb + 1.0)
    den2 = jnp.maximum(q * (q - 1.0), 0.25)
    terms = sf / den1 + sb * (g - f - 0.5 * nf) / den2
    loss_c = jnp.sum(terms, axis=1, keepdims=True)
    present = (g > 0.0).astype(jnp.float32)
    total = jnp.sum(loss_c * present)
    count = jnp.maximum(jnp.sum(present), 1.0)
    out_ref[...] = jnp.broadcast_to(total / count, (1, 1))


def kernel(logits, labels):
    lg = logits.reshape(B, C, HW)
    lb = labels.reshape(B, HW).astype(jnp.int32)
    cnt = _sc_hist(lg, lb)
    cnt = cnt.reshape(NW, ROWS, NB)
    out = pl.pallas_call(
        _tc_finalize,
        out_shape=jax.ShapeDtypeStruct((1, 1), jnp.float32),
    )(cnt)
    return out[0, 0]

# --- scband reference (transcript-rebuilt; emitter-appended) ---
"""Pipeline reference for scband-lovasz-softmax-loss-22522808500716 (READ-ONLY COPY).

The authoritative reference and input builder live on the scoring server;
editing this copy changes nothing except your own understanding.
"""

import jax, jax.numpy as jnp
import numpy as np

B, C, H, W = 4, 19, 512, 512


def setup_inputs(seed: int = 0) -> dict:
    key = jax.random.key(seed)
    k1, k2 = jax.random.split(key)
    logits = jax.random.normal(k1, (B, C, H, W), dtype=jnp.float32)
    labels = jax.random.randint(k2, (B, H, W), 0, C, dtype=jnp.int64)
    return {"logits": logits, "labels": labels}


def _lovasz_grad(fg_sorted):
    gts = jnp.sum(fg_sorted)
    intersection = gts - jnp.cumsum(fg_sorted)
    union = gts + jnp.cumsum(1.0 - fg_sorted)
    jaccard = 1.0 - intersection / union
    # jaccard[1:] = jaccard[1:] - jaccard[:-1]
    jaccard = jnp.concatenate([jaccard[:1], jaccard[1:] - jaccard[:-1]])
    return jaccard


def reference(logits, labels):
    # permute [B, C, H, W] -> [B, H, W, C] then flatten to [P, C]
    lp = jnp.transpose(logits, (0, 2, 3, 1)).reshape(-1, C)
    lb = labels.reshape(-1)
    total = jnp.asarray(0.0, dtype=jnp.float32)
    count = jnp.asarray(0.0, dtype=jnp.float32)
    for c in range(C):
        fg = (lb == c).astype(jnp.float32)
        present = jnp.sum(fg) > 0
        errors = jnp.abs(fg - lp[:, c])
        perm = jnp.argsort(-errors)  # descending sort
        errors_sorted = errors[perm]
        fg_sorted = fg[perm]
        loss_c = jnp.dot(errors_sorted, _lovasz_grad(fg_sorted))
        total = total + jnp.where(present, loss_c, 0.0)
        count = count + jnp.where(present, 1.0, 0.0)
    return total / count

if __name__ == "__main__":
    import jax
    _d = setup_inputs()
    print(jax.jit(kernel)(*tuple(_d.values())))

</pallas_src>

<mosaic_0001>
#map = affine_map<(d0, d1) -> (0, 0, 0)>
#map1 = affine_map<(d0, d1) -> (0, 0)>
module attributes {stable_mosaic.version = 14 : i64} {
  func.func @_sc_hist(%arg0: i32, %arg1: i32, %arg2: memref<4x19x262144xf32, #tpu.memory_space<hbm>>, %arg3: memref<4x262144xi32, #tpu.memory_space<hbm>>, %arg4: memref<32x24576xf32, #tpu.memory_space<hbm>>, %arg5: memref<32768xi32, #tpu.memory_space<vmem>>, %arg6: memref<32768xf32, #tpu.memory_space<vmem>>, %arg7: memref<49152xf32, #tpu.memory_space<vmem>>, %arg8: memref<!tpu.dma_semaphore, #tpu.memory_space<semaphore_mem>>) attributes {dimension_semantics = [#tpu.dimension_semantics<core_parallel>, #tpu.dimension_semantics<subcore_parallel>], iteration_bounds = array<i64: 2, 16>, scalar_prefetch = 0 : i64, scratch_operands = 4 : i64, tpu.core_type = #tpu.core_type<sc_vector_subcore>, window_params = [{transform_indices = #map}, {transform_indices = #map1}, {transform_indices = #map1}]} {
    %mul3A = arith.constant 2 : i32
    %mul3A_0 = arith.muli %arg1, %mul3A : i32
    %add3A = arith.addi %mul3A_0, %arg0 : i32
    %jit3A = arith.constant 8 : i32
    %div3A = arith.divsi %add3A, %jit3A : i32
    %sign3A = arith.constant 0 : i32
    %sign3A_1 = arith.cmpi sgt, %add3A, %sign3A : i32
    %sign3A_2 = arith.extui %sign3A_1 : i1 to i32
    %sign3A_3 = arith.constant 0 : i32
    %sign3A_4 = arith.cmpi slt, %add3A, %sign3A_3 : i32
    %sign3A_5 = arith.extui %sign3A_4 : i1 to i32
    %sign3A_6 = arith.subi %sign3A_2, %sign3A_5 : i32
    %sign3A_7 = arith.constant 0 : i32
    %sign3A_8 = arith.cmpi sgt, %jit3A, %sign3A_7 : i32
    %sign3A_9 = arith.extui %sign3A_8 : i1 to i32
    %sign3A_10 = arith.constant 0 : i32
    %sign3A_11 = arith.cmpi slt, %jit3A, %sign3A_10 : i32
    %sign3A_12 = arith.extui %sign3A_11 : i1 to i32
    %sign3A_13 = arith.subi %sign3A_9, %sign3A_12 : i32
    %ne3A = arith.cmpi ne, %sign3A_6, %sign3A_13 : i32
    %rem3A = arith.remsi %add3A, %jit3A : i32
    %ne3A_14 = arith.constant 0 : i32
    %ne3A_15 = arith.cmpi ne, %rem3A, %ne3A_14 : i32
    %and3A = arith.andi %ne3A, %ne3A_15 : i1
    %sub3A = arith.constant 1 : i32
    %sub3A_16 = arith.subi %div3A, %sub3A : i32
    %select_n3A = arith.select %and3A, %sub3A_16, %div3A : i32
    %jit3A_17 = arith.constant 8 : i32
    %eq3A = arith.constant 0 : i32
    %eq3A_18 = arith.cmpi eq, %jit3A_17, %eq3A : i32
    %jit3A_19 = arith.constant 1 : i32
    %select_n3A_20 = arith.select %eq3A_18, %jit3A_19, %jit3A_17 : i32
    %rem3A_21 = arith.remsi %add3A, %select_n3A_20 : i32
    %ne3A_22 = arith.constant 0 : i32
    %ne3A_23 = arith.cmpi ne, %rem3A_21, %ne3A_22 : i32
    %lt3A = arith.constant 0 : i32
    %lt3A_24 = arith.cmpi slt, %rem3A_21, %lt3A : i32
    %lt3A_25 = arith.constant 0 : i32
    %lt3A_26 = arith.cmpi slt, %select_n3A_20, %lt3A_25 : i32
    %ne3A_27 = arith.xori %lt3A_24, %lt3A_26 : i1
    %and3A_28 = arith.andi %ne3A_27, %ne3A_23 : i1
    %add3A_29 = arith.addi %rem3A_21, %select_n3A_20 : i32
    %select_n3A_30 = arith.select %and3A_28, %add3A_29, %rem3A_21 : i32
    %mul3A_31 = arith.constant 32768 : i32
    %mul3A_32 = arith.muli %select_n3A_30, %mul3A_31 : i32
    %broadcast_in_dim3A = arith.constant 0.000000e+00 : f32
    %broadcast_in_dim3A_33 = vector.broadcast %broadcast_in_dim3A : f32 to vector<16xf32>
    %scan3A = arith.constant 0 : i32
    %scan3A_34 = arith.constant 0 : i32
    %scan3A_35 = arith.constant 3072 : i32
    %scan3A_36 = arith.addi %scan3A_34, %scan3A_35 : i32
    %scan3A_37 = arith.constant 1 : i32
    scf.for %scan3A_63 = %scan3A_34 to %scan3A_36 step %scan3A_37  : i32 {
      %mul3A_64 = arith.constant 16 : i32
      %mul3A_65 = arith.muli %scan3A_63, %mul3A_64 : i32
      %swap3A = arith.index_cast %mul3A_65 : i32 to index
      %swap3A_66 = tpu.vector_load %arg7[%swap3A] {strides = array<i32>} : memref<49152xf32, #tpu.memory_space<vmem>>, vector<16xf32>,
      tpu.vector_store %arg7[%swap3A], %broadcast_in_dim3A_33 {strides = array<i32>} : memref<49152xf32, #tpu.memory_space<vmem>>, vector<16xf32>,
    }
    %scan3A_38 = arith.constant 3072 : i32
    "tpu.region"() ({
      %run_scoped3A = tpu.sem_alloc : memref<!tpu.dma_semaphore, #tpu.memory_space<semaphore_mem>>
      %dma_start3A_63 = tpu.memref_slice %arg3[%select_n3A, %mul3A_32] : memref<4x262144xi32, #tpu.memory_space<hbm>> -> memref<1x32768xi32, #tpu.memory_space<hbm>>
      %dma_start3A_64 = tpu.memref_squeeze %dma_start3A_63 : memref<1x32768xi32, #tpu.memory_space<hbm>> -> memref<32768xi32, #tpu.memory_space<hbm>>
      %dma_start3A_65 = tpu.memref_slice %arg3[%select_n3A, %mul3A_32] : memref<4x262144xi32, #tpu.memory_space<hbm>> -> memref<1x32768xi32, #tpu.memory_space<hbm>>
      %dma_start3A_66 = tpu.memref_squeeze %dma_start3A_65 : memref<1x32768xi32, #tpu.memory_space<hbm>> -> memref<32768xi32, #tpu.memory_space<hbm>>
      tpu.enqueue_dma source(%dma_start3A_66 : memref<32768xi32, #tpu.memory_space<hbm>>) target(%arg5 : memref<32768xi32, #tpu.memory_space<vmem>>) target_semaphore(%run_scoped3A : memref<!tpu.dma_semaphore, #tpu.memory_space<semaphore_mem>>)
      %dma_wait3A = tpu.memref_slice %arg3[%select_n3A, %mul3A_32] : memref<4x262144xi32, #tpu.memory_space<hbm>> -> memref<1x32768xi32, #tpu.memory_space<hbm>>
      %dma_wait3A_67 = tpu.memref_squeeze %dma_wait3A : memref<1x32768xi32, #tpu.memory_space<hbm>> -> memref<32768xi32, #tpu.memory_space<hbm>>
      %dma_wait3A_68 = tpu.memref_slice %arg3[%select_n3A, %mul3A_32] : memref<4x262144xi32, #tpu.memory_space<hbm>> -> memref<1x32768xi32, #tpu.memory_space<hbm>>
      %dma_wait3A_69 = tpu.memref_squeeze %dma_wait3A_68 : memref<1x32768xi32, #tpu.memory_space<hbm>> -> memref<32768xi32, #tpu.memory_space<hbm>>
      tpu.wait_dma2 semaphore(%run_scoped3A : memref<!tpu.dma_semaphore, #tpu.memory_space<semaphore_mem>>) src(%dma_wait3A_69 : memref<32768xi32, #tpu.memory_space<hbm>>) dst(%arg5 : memref<32768xi32, #tpu.memory_space<vmem>>)
      tpu.yield
    }) : () -> ()
    %broadcast_in_dim3A_39 = arith.constant 1.000000e+00 : f32
    %broadcast_in_dim3A_40 = vector.broadcast %broadcast_in_dim3A_39 : f32 to vector<16xf32>
    %add3A_41 = arith.constant 0 : i32
    %add3A_42 = arith.addi %mul3A_32, %add3A_41 : i32
    %dma_start3A = arith.constant 0 : i32
    %dma_start3A_43 = arith.constant 0 : i32
    %dma_start3A_44 = tpu.memref_slice %arg6[%dma_start3A_43] : memref<32768xf32, #tpu.memory_space<vmem>> -> memref<16384xf32, #tpu.memory_space<vmem>>
    %dma_start3A_45 = tpu.memref_slice %arg2[%select_n3A, %dma_start3A, %add3A_42] : memref<4x19x262144xf32, #tpu.memory_space<hbm>> -> memref<1x1x16384xf32, #tpu.memory_space<hbm>>
    %dma_start3A_46 = tpu.memref_squeeze %dma_start3A_45 : memref<1x1x16384xf32, #tpu.memory_space<hbm>> -> memref<16384xf32, #tpu.memory_space<hbm>>
    %dma_start3A_47 = arith.constant 0 : i32
    %dma_start3A_48 = tpu.memref_slice %arg6[%dma_start3A_47] : memref<32768xf32, #tpu.memory_space<vmem>> -> memref<16384xf32, #tpu.memory_space<vmem>>
    %dma_start3A_49 = tpu.memref_slice %arg2[%select_n3A, %dma_start3A, %add3A_42] : memref<4x19x262144xf32, #tpu.memory_space<hbm>> -> memref<1x1x16384xf32, #tpu.memory_space<hbm>>
    %dma_start3A_50 = tpu.memref_squeeze %dma_start3A_49 : memref<1x1x16384xf32, #tpu.memory_space<hbm>> -> memref<16384xf32, #tpu.memory_space<hbm>>
    tpu.enqueue_dma source(%dma_start3A_50 : memref<16384xf32, #tpu.memory_space<hbm>>) target(%dma_start3A_48 : memref<16384xf32, #tpu.memory_space<vmem>>) target_semaphore(%arg8 : memref<!tpu.dma_semaphore, #tpu.memory_space<semaphore_mem>>)
    %scan3A_51 = arith.constant 0 : i32
    %scan3A_52 = arith.constant 0 : i32
    %scan3A_53 = arith.constant 38 : i32
    %scan3A_54 = arith.addi %scan3A_52, %scan3A_53 : i32
    %scan3A_55 = arith.constant 1 : i32
    scf.for %scan3A_63 = %scan3A_52 to %scan3A_54 step %scan3A_55  : i32 {
      %dma_wait3A = arith.constant 0 : i32
      %dma_wait3A_64 = arith.constant 0 : i32
      %dma_wait3A_65 = tpu.memref_slice %arg6[%dma_wait3A_64] : memref<32768xf32, #tpu.memory_space<vmem>> -> memref<16384xf32, #tpu.memory_space<vmem>>
      %dma_wait3A_66 = tpu.memref_slice %arg2[%select_n3A, %dma_wait3A, %mul3A_32] : memref<4x19x262144xf32, #tpu.memory_space<hbm>> -> memref<1x1x16384xf32, #tpu.memory_space<hbm>>
      %dma_wait3A_67 = tpu.memref_squeeze %dma_wait3A_66 : memref<1x1x16384xf32, #tpu.memory_space<hbm>> -> memref<16384xf32, #tpu.memory_space<hbm>>
      %dma_wait3A_68 = arith.constant 0 : i32
      %dma_wait3A_69 = tpu.memref_slice %arg6[%dma_wait3A_68] : memref<32768xf32, #tpu.memory_space<vmem>> -> memref<16384xf32, #tpu.memory_space<vmem>>
      %dma_wait3A_70 = tpu.memref_slice %arg2[%select_n3A, %dma_wait3A, %mul3A_32] : memref<4x19x262144xf32, #tpu.memory_space<hbm>> -> memref<1x1x16384xf32, #tpu.memory_space<hbm>>
      %dma_wait3A_71 = tpu.memref_squeeze %dma_wait3A_70 : memref<1x1x16384xf32, #tpu.memory_space<hbm>> -> memref<16384xf32, #tpu.memory_space<hbm>>
      tpu.wait_dma2 semaphore(%arg8 : memref<!tpu.dma_semaphore, #tpu.memory_space<semaphore_mem>>) src(%dma_wait3A_71 : memref<16384xf32, #tpu.memory_space<hbm>>) dst(%dma_wait3A_69 : memref<16384xf32, #tpu.memory_space<vmem>>)
      %add3A_72 = arith.constant 1 : i32
      %add3A_73 = arith.addi %scan3A_63, %add3A_72 : i32
      %lt3A_74 = arith.constant 38 : i32
      %lt3A_75 = arith.cmpi slt, %add3A_73, %lt3A_74 : i32
      %convert_element_type3A = arith.extui %lt3A_75 : i1 to i32
      %cond3A = arith.constant 0 : i32
      %cond3A_76 = arith.cmpi ne, %convert_element_type3A, %cond3A : i32
      scf.if %cond3A_76 {
        %add3A_141 = arith.constant 1 : i32
        %add3A_142 = arith.addi %scan3A_63, %add3A_141 : i32
        %jit3A_143 = arith.constant 2 : i32
        %div3A_144 = arith.divsi %add3A_142, %jit3A_143 : i32
        %sign3A_145 = arith.constant 0 : i32
        %sign3A_146 = arith.cmpi sgt, %add3A_142, %sign3A_145 : i32
        %sign3A_147 = arith.extui %sign3A_146 : i1 to i32
        %sign3A_148 = arith.constant 0 : i32
        %sign3A_149 = arith.cmpi slt, %add3A_142, %sign3A_148 : i32
        %sign3A_150 = arith.extui %sign3A_149 : i1 to i32
        %sign3A_151 = arith.subi %sign3A_147, %sign3A_150 : i32
        %sign3A_152 = arith.constant 0 : i32
        %sign3A_153 = arith.cmpi sgt, %jit3A_143, %sign3A_152 : i32
        %sign3A_154 = arith.extui %sign3A_153 : i1 to i32
        %sign3A_155 = arith.constant 0 : i32
        %sign3A_156 = arith.cmpi slt, %jit3A_143, %sign3A_155 : i32
        %sign3A_157 = arith.extui %sign3A_156 : i1 to i32
        %sign3A_158 = arith.subi %sign3A_154, %sign3A_157 : i32
        %ne3A_159 = arith.cmpi ne, %sign3A_151, %sign3A_158 : i32
        %rem3A_160 = arith.remsi %add3A_142, %jit3A_143 : i32
        %ne3A_161 = arith.constant 0 : i32
        %ne3A_162 = arith.cmpi ne, %rem3A_160, %ne3A_161 : i32
        %and3A_163 = arith.andi %ne3A_159, %ne3A_162 : i1
        %sub3A_164 = arith.constant 1 : i32
        %sub3A_165 = arith.subi %div3A_144, %sub3A_164 : i32
        %select_n3A_166 = arith.select %and3A_163, %sub3A_165, %div3A_144 : i32
        %jit3A_167 = arith.constant 2 : i32
        %eq3A_168 = arith.constant 0 : i32
        %eq3A_169 = arith.cmpi eq, %jit3A_167, %eq3A_168 : i32
        %jit3A_170 = arith.constant 1 : i32
        %select_n3A_171 = arith.select %eq3A_169, %jit3A_170, %jit3A_167 : i32
        %rem3A_172 = arith.remsi %add3A_142, %select_n3A_171 : i32
        %ne3A_173 = arith.constant 0 : i32
        %ne3A_174 = arith.cmpi ne, %rem3A_172, %ne3A_173 : i32
        %lt3A_175 = arith.constant 0 : i32
        %lt3A_176 = arith.cmpi slt, %rem3A_172, %lt3A_175 : i32
        %lt3A_177 = arith.constant 0 : i32
        %lt3A_178 = arith.cmpi slt, %select_n3A_171, %lt3A_177 : i32
        %ne3A_179 = arith.xori %lt3A_176, %lt3A_178 : i1
        %and3A_180 = arith.andi %ne3A_179, %ne3A_174 : i1
        %add3A_181 = arith.addi %rem3A_172, %select_n3A_171 : i32
        %select_n3A_182 = arith.select %and3A_180, %add3A_181, %rem3A_172 : i32
        %mul3A_183 = arith.constant 16384 : i32
        %mul3A_184 = arith.muli %select_n3A_182, %mul3A_183 : i32
        %add3A_185 = arith.addi %mul3A_32, %mul3A_184 : i32
        %jit3A_186 = arith.constant 2 : i32
        %eq3A_187 = arith.constant 0 : i32
        %eq3A_188 = arith.cmpi eq, %jit3A_186, %eq3A_187 : i32
        %jit3A_189 = arith.constant 1 : i32
        %select_n3A_190 = arith.select %eq3A_188, %jit3A_189, %jit3A_186 : i32
        %rem3A_191 = arith.remsi %add3A_142, %select_n3A_190 : i32
        %ne3A_192 = arith.constant 0 : i32
        %ne3A_193 = arith.cmpi ne, %rem3A_191, %ne3A_192 : i32
        %lt3A_194 = arith.constant 0 : i32
        %lt3A_195 = arith.cmpi slt, %rem3A_191, %lt3A_194 : i32
        %lt3A_196 = arith.constant 0 : i32
        %lt3A_197 = arith.cmpi slt, %select_n3A_190, %lt3A_196 : i32
        %ne3A_198 = arith.xori %lt3A_195, %lt3A_197 : i1
        %and3A_199 = arith.andi %ne3A_198, %ne3A_193 : i1
        %add3A_200 = arith.addi %rem3A_191, %select_n3A_190 : i32
        %select_n3A_201 = arith.select %and3A_199, %add3A_200, %rem3A_191 : i32
        %mul3A_202 = arith.constant 16384 : i32
        %mul3A_203 = arith.muli %select_n3A_201, %mul3A_202 : i32
        %dma_start3A_204 = tpu.memref_slice %arg6[%mul3A_203] : memref<32768xf32, #tpu.memory_space<vmem>> -> memref<16384xf32, #tpu.memory_space<vmem>>
        %dma_start3A_205 = tpu.memref_slice %arg2[%select_n3A, %select_n3A_166, %add3A_185] : memref<4x19x262144xf32, #tpu.memory_space<hbm>> -> memref<1x1x16384xf32, #tpu.memory_space<hbm>>
        %dma_start3A_206 = tpu.memref_squeeze %dma_start3A_205 : memref<1x1x16384xf32, #tpu.memory_space<hbm>> -> memref<16384xf32, #tpu.memory_space<hbm>>
        %dma_start3A_207 = tpu.memref_slice %arg6[%mul3A_203] : memref<32768xf32, #tpu.memory_space<vmem>> -> memref<16384xf32, #tpu.memory_space<vmem>>
        %dma_start3A_208 = tpu.memref_slice %arg2[%select_n3A, %select_n3A_166, %add3A_185] : memref<4x19x262144xf32, #tpu.memory_space<hbm>> -> memref<1x1x16384xf32, #tpu.memory_space<hbm>>
        %dma_start3A_209 = tpu.memref_squeeze %dma_start3A_208 : memref<1x1x16384xf32, #tpu.memory_space<hbm>> -> memref<16384xf32, #tpu.memory_space<hbm>>
        tpu.enqueue_dma source(%dma_start3A_209 : memref<16384xf32, #tpu.memory_space<hbm>>) target(%dma_start3A_207 : memref<16384xf32, #tpu.memory_space<vmem>>) target_semaphore(%arg8 : memref<!tpu.dma_semaphore, #tpu.memory_space<semaphore_mem>>)
      } else {
      }
      %jit3A_77 = arith.constant 2 : i32
      %div3A_78 = arith.divsi %scan3A_63, %jit3A_77 : i32
      %sign3A_79 = arith.constant 0 : i32
      %sign3A_80 = arith.cmpi sgt, %scan3A_63, %sign3A_79 : i32
      %sign3A_81 = arith.extui %sign3A_80 : i1 to i32
      %sign3A_82 = arith.constant 0 : i32
      %sign3A_83 = arith.cmpi slt, %scan3A_63, %sign3A_82 : i32
      %sign3A_84 = arith.extui %sign3A_83 : i1 to i32
      %sign3A_85 = arith.subi %sign3A_81, %sign3A_84 : i32
      %sign3A_86 = arith.constant 0 : i32
      %sign3A_87 = arith.cmpi sgt, %jit3A_77, %sign3A_86 : i32
      %sign3A_88 = arith.extui %sign3A_87 : i1 to i32
      %sign3A_89 = arith.constant 0 : i32
      %sign3A_90 = arith.cmpi slt, %jit3A_77, %sign3A_89 : i32
      %sign3A_91 = arith.extui %sign3A_90 : i1 to i32
      %sign3A_92 = arith.subi %sign3A_88, %sign3A_91 : i32
      %ne3A_93 = arith.cmpi ne, %sign3A_85, %sign3A_92 : i32
      %rem3A_94 = arith.remsi %scan3A_63, %jit3A_77 : i32
      %ne3A_95 = arith.constant 0 : i32
      %ne3A_96 = arith.cmpi ne, %rem3A_94, %ne3A_95 : i32
      %and3A_97 = arith.andi %ne3A_93, %ne3A_96 : i1
      %sub3A_98 = arith.constant 1 : i32
      %sub3A_99 = arith.subi %div3A_78, %sub3A_98 : i32
      %select_n3A_100 = arith.select %and3A_97, %sub3A_99, %div3A_78 : i32
      %jit3A_101 = arith.constant 2 : i32
      %eq3A_102 = arith.constant 0 : i32
      %eq3A_103 = arith.cmpi eq, %jit3A_101, %eq3A_102 : i32
      %jit3A_104 = arith.constant 1 : i32
      %select_n3A_105 = arith.select %eq3A_103, %jit3A_104, %jit3A_101 : i32
      %rem3A_106 = arith.remsi %scan3A_63, %select_n3A_105 : i32
      %ne3A_107 = arith.constant 0 : i32
      %ne3A_108 = arith.cmpi ne, %rem3A_106, %ne3A_107 : i32
      %lt3A_109 = arith.constant 0 : i32
      %lt3A_110 = arith.cmpi slt, %rem3A_106, %lt3A_109 : i32
      %lt3A_111 = arith.constant 0 : i32
      %lt3A_112 = arith.cmpi slt, %select_n3A_105, %lt3A_111 : i32
      %ne3A_113 = arith.xori %lt3A_110, %lt3A_112 : i1
      %and3A_114 = arith.andi %ne3A_113, %ne3A_108 : i1
      %add3A_115 = arith.addi %rem3A_106, %select_n3A_105 : i32
      %select_n3A_116 = arith.select %and3A_114, %add3A_115, %rem3A_106 : i32
      %mul3A_117 = arith.constant 16384 : i32
      %mul3A_118 = arith.muli %select_n3A_116, %mul3A_117 : i32
      %jit3A_119 = arith.constant 2 : i32
      %eq3A_120 = arith.constant 0 : i32
      %eq3A_121 = arith.cmpi eq, %jit3A_119, %eq3A_120 : i32
      %jit3A_122 = arith.constant 1 : i32
      %select_n3A_123 = arith.select %eq3A_121, %jit3A_122, %jit3A_119 : i32
      %rem3A_124 = arith.remsi %scan3A_63, %select_n3A_123 : i32
      %ne3A_125 = arith.constant 0 : i32
      %ne3A_126 = arith.cmpi ne, %rem3A_124, %ne3A_125 : i32
      %lt3A_127 = arith.constant 0 : i32
      %lt3A_128 = arith.cmpi slt, %rem3A_124, %lt3A_127 : i32
      %lt3A_129 = arith.constant 0 : i32
      %lt3A_130 = arith.cmpi slt, %select_n3A_123, %lt3A_129 : i32
      %ne3A_131 = arith.xori %lt3A_128, %lt3A_130 : i1
      %and3A_132 = arith.andi %ne3A_131, %ne3A_126 : i1
      %add3A_133 = arith.addi %rem3A_124, %select_n3A_123 : i32
      %select_n3A_134 = arith.select %and3A_132, %add3A_133, %rem3A_124 : i32
      %mul3A_135 = arith.constant 16384 : i32
      %mul3A_136 = arith.muli %select_n3A_134, %mul3A_135 : i32
      %mul3A_137 = arith.constant 512 : i32
      %mul3A_138 = arith.muli %select_n3A_100, %mul3A_137 : i32
      %parallel_loop3A = arith.constant 0 : i32
      %parallel_loop3A_139 = arith.constant 1024 : i32
      %parallel_loop3A_140 = arith.constant 1 : i32
      scf.for %parallel_loop3A_141 = %parallel_loop3A to %parallel_loop3A_139 step %parallel_loop3A_140  : i32 {
        %parallel_loop3A_142 = arith.constant 16 : i32
        %parallel_loop3A_143 = arith.muli %parallel_loop3A_141, %parallel_loop3A_142 : i32
        %parallel_loop3A_144 = arith.addi %mul3A_136, %parallel_loop3A_143 : i32
        %parallel_loop3A_145 = arith.index_cast %parallel_loop3A_144 : i32 to index
        %parallel_loop3A_146 = tpu.vector_load %arg6[%parallel_loop3A_145] {strides = array<i32>} : memref<32768xf32, #tpu.memory_space<vmem>>, vector<16xf32>,
        %parallel_loop3A_147 = arith.constant 16 : i32
        %parallel_loop3A_148 = arith.muli %parallel_loop3A_141, %parallel_loop3A_147 : i32
        %parallel_loop3A_149 = arith.addi %mul3A_118, %parallel_loop3A_148 : i32
        %parallel_loop3A_150 = arith.index_cast %parallel_loop3A_149 : i32 to index
        %parallel_loop3A_151 = tpu.vector_load %arg5[%parallel_loop3A_150] {strides = array<i32>} : memref<32768xi32, #tpu.memory_space<vmem>>, vector<16xi32>,
        %parallel_loop3A_152 = vector.broadcast %select_n3A_100 : i32 to vector<16xi32>
        %parallel_loop3A_153 = arith.cmpi eq, %parallel_loop3A_151, %parallel_loop3A_152 : vector<16xi32>
        %parallel_loop3A_154 = arith.constant 1.000000e+00 : f32
        %parallel_loop3A_155 = arith.constant 0.000000e+00 : f32
        %parallel_loop3A_156 = vector.broadcast %parallel_loop3A_154 : f32 to vector<16xf32>
        %parallel_loop3A_157 = vector.broadcast %parallel_loop3A_155 : f32 to vector<16xf32>
        %parallel_loop3A_158 = arith.select %parallel_loop3A_153, %parallel_loop3A_156, %parallel_loop3A_157 : vector<16xi1>, vector<16xf32>
        %parallel_loop3A_159 = arith.subf %parallel_loop3A_158, %parallel_loop3A_146 : vector<16xf32>
        %parallel_loop3A_160 = math.absf %parallel_loop3A_159 : vector<16xf32>
        %parallel_loop3A_161 = arith.constant 6.400000e+01 : f32
        %parallel_loop3A_162 = vector.broadcast %parallel_loop3A_161 : f32 to vector<16xf32>
        %parallel_loop3A_163 = arith.mulf %parallel_loop3A_160, %parallel_loop3A_162 : vector<16xf32>
        %parallel_loop3A_164 = arith.fptosi %parallel_loop3A_163 : vector<16xf32> to vector<16xi32>
        %parallel_loop3A_165 = arith.constant 511 : i32
        %parallel_loop3A_166 = vector.broadcast %parallel_loop3A_165 : i32 to vector<16xi32>
        %parallel_loop3A_167 = arith.minsi %parallel_loop3A_164, %parallel_loop3A_166 : vector<16xi32>
        %parallel_loop3A_168 = arith.constant 2 : i32
        %parallel_loop3A_169 = arith.constant 0 : i32
        %parallel_loop3A_170 = arith.cmpi eq, %parallel_loop3A_168, %parallel_loop3A_169 : i32
        %parallel_loop3A_171 = arith.constant 1 : i32
        %parallel_loop3A_172 = arith.select %parallel_loop3A_170, %parallel_loop3A_171, %parallel_loop3A_168 : i32
        %parallel_loop3A_173 = arith.remsi %parallel_loop3A_141, %parallel_loop3A_172 : i32
        %parallel_loop3A_174 = arith.constant 0 : i32
        %parallel_loop3A_175 = arith.cmpi ne, %parallel_loop3A_173, %parallel_loop3A_174 : i32
        %parallel_loop3A_176 = arith.constant 0 : i32
        %parallel_loop3A_177 = arith.cmpi slt, %parallel_loop3A_173, %parallel_loop3A_176 : i32
        %parallel_loop3A_178 = arith.constant 0 : i32
        %parallel_loop3A_179 = arith.cmpi slt, %parallel_loop3A_172, %parallel_loop3A_178 : i32
        %parallel_loop3A_180 = arith.xori %parallel_loop3A_177, %parallel_loop3A_179 : i1
        %parallel_loop3A_181 = arith.andi %parallel_loop3A_180, %parallel_loop3A_175 : i1
        %parallel_loop3A_182 = arith.addi %parallel_loop3A_173, %parallel_loop3A_172 : i32
        %parallel_loop3A_183 = arith.select %parallel_loop3A_181, %parallel_loop3A_182, %parallel_loop3A_173 : i32
        %parallel_loop3A_184 = arith.constant 24576 : i32
        %parallel_loop3A_185 = arith.muli %parallel_loop3A_183, %parallel_loop3A_184 : i32
        %parallel_loop3A_186 = arith.constant 12288 : i32
        %parallel_loop3A_187 = arith.constant 0 : i32
        %parallel_loop3A_188 = vector.broadcast %parallel_loop3A_186 : i32 to vector<16xi32>
        %parallel_loop3A_189 = vector.broadcast %parallel_loop3A_187 : i32 to vector<16xi32>
        %parallel_loop3A_190 = arith.select %parallel_loop3A_153, %parallel_loop3A_188, %parallel_loop3A_189 : vector<16xi1>, vector<16xi32>
        %parallel_loop3A_191 = arith.addi %mul3A_138, %parallel_loop3A_185 : i32
        %parallel_loop3A_192 = vector.broadcast %parallel_loop3A_191 : i32 to vector<16xi32>
        %parallel_loop3A_193 = arith.addi %parallel_loop3A_190, %parallel_loop3A_192 : vector<16xi32>
        %parallel_loop3A_194 = arith.addi %parallel_loop3A_193, %parallel_loop3A_167 : vector<16xi32>
        tpu.vector_store_idx %arg7[%parallel_loop3A_194], %broadcast_in_dim3A_40 {add = true} : memref<49152xf32, #tpu.memory_space<vmem>>[vector<16xi32>], vector<16xf32>,
      } {sc.loop_unroll_factor = 8 : i64, sc.parallel_access}
    }
    %scan3A_56 = arith.constant 38 : i32
    %scan3A_57 = arith.constant 0 : i32
    %scan3A_58 = arith.constant 0 : i32
    %scan3A_59 = arith.constant 1536 : i32
    %scan3A_60 = arith.addi %scan3A_58, %scan3A_59 : i32
    %scan3A_61 = arith.constant 1 : i32
    scf.for %scan3A_63 = %scan3A_58 to %scan3A_60 step %scan3A_61  : i32 {
      %mul3A_64 = arith.constant 16 : i32
      %mul3A_65 = arith.muli %scan3A_63, %mul3A_64 : i32
      %get3A = arith.index_cast %mul3A_65 : i32 to index
      %get3A_66 = tpu.vector_load %arg7[%get3A] {strides = array<i32>} : memref<49152xf32, #tpu.memory_space<vmem>>, vector<16xf32>,
      %mul3A_67 = arith.constant 16 : i32
      %mul3A_68 = arith.muli %scan3A_63, %mul3A_67 : i32
      %add3A_69 = arith.constant 24576 : i32
      %add3A_70 = arith.addi %add3A_69, %mul3A_68 : i32
      %get3A_71 = arith.index_cast %add3A_70 : i32 to index
      %get3A_72 = tpu.vector_load %arg7[%get3A_71] {strides = array<i32>} : memref<49152xf32, #tpu.memory_space<vmem>>, vector<16xf32>,
      %add3A_73 = arith.addf %get3A_66, %get3A_72 : vector<16xf32>
      %mul3A_74 = arith.constant 16 : i32
      %mul3A_75 = arith.muli %scan3A_63, %mul3A_74 : i32
      %swap3A = arith.index_cast %mul3A_75 : i32 to index
      %swap3A_76 = tpu.vector_load %arg7[%swap3A] {strides = array<i32>} : memref<49152xf32, #tpu.memory_space<vmem>>, vector<16xf32>,
      tpu.vector_store %arg7[%swap3A], %add3A_73 {strides = array<i32>} : memref<49152xf32, #tpu.memory_space<vmem>>, vector<16xf32>,
    }
    %scan3A_62 = arith.constant 1536 : i32
    "tpu.region"() ({
      %run_scoped3A = tpu.sem_alloc : memref<!tpu.dma_semaphore, #tpu.memory_space<semaphore_mem>>
      %dma_start3A_63 = arith.constant 0 : i32
      %dma_start3A_64 = tpu.memref_slice %arg7[%dma_start3A_63] : memref<49152xf32, #tpu.memory_space<vmem>> -> memref<24576xf32, #tpu.memory_space<vmem>>
      %dma_start3A_65 = arith.constant 0 : i32
      %dma_start3A_66 = tpu.memref_slice %arg4[%add3A, %dma_start3A_65] : memref<32x24576xf32, #tpu.memory_space<hbm>> -> memref<1x24576xf32, #tpu.memory_space<hbm>>
      %dma_start3A_67 = tpu.memref_squeeze %dma_start3A_66 : memref<1x24576xf32, #tpu.memory_space<hbm>> -> memref<24576xf32, #tpu.memory_space<hbm>>
      %dma_start3A_68 = arith.constant 0 : i32
      %dma_start3A_69 = tpu.memref_slice %arg4[%add3A, %dma_start3A_68] : memref<32x24576xf32, #tpu.memory_space<hbm>> -> memref<1x24576xf32, #tpu.memory_space<hbm>>
      %dma_start3A_70 = tpu.memref_squeeze %dma_start3A_69 : memref<1x24576xf32, #tpu.memory_space<hbm>> -> memref<24576xf32, #tpu.memory_space<hbm>>
      %dma_start3A_71 = arith.constant 0 : i32
      %dma_start3A_72 = tpu.memref_slice %arg7[%dma_start3A_71] : memref<49152xf32, #tpu.memory_space<vmem>> -> memref<24576xf32, #tpu.memory_space<vmem>>
      tpu.enqueue_dma source(%dma_start3A_72 : memref<24576xf32, #tpu.memory_space<vmem>>) target(%dma_start3A_70 : memref<24576xf32, #tpu.memory_space<hbm>>) target_semaphore(%run_scoped3A : memref<!tpu.dma_semaphore, #tpu.memory_space<semaphore_mem>>)
      %dma_wait3A = arith.constant 0 : i32
      %dma_wait3A_73 = tpu.memref_slice %arg7[%dma_wait3A] : memref<49152xf32, #tpu.memory_space<vmem>> -> memref<24576xf32, #tpu.memory_space<vmem>>
      %dma_wait3A_74 = arith.constant 0 : i32
      %dma_wait3A_75 = tpu.memref_slice %arg4[%add3A, %dma_wait3A_74] : memref<32x24576xf32, #tpu.memory_space<hbm>> -> memref<1x24576xf32, #tpu.memory_space<hbm>>
      %dma_wait3A_76 = tpu.memref_squeeze %dma_wait3A_75 : memref<1x24576xf32, #tpu.memory_space<hbm>> -> memref<24576xf32, #tpu.memory_space<hbm>>
      %dma_wait3A_77 = arith.constant 0 : i32
      %dma_wait3A_78 = tpu.memref_slice %arg4[%add3A, %dma_wait3A_77] : memref<32x24576xf32, #tpu.memory_space<hbm>> -> memref<1x24576xf32, #tpu.memory_space<hbm>>
      %dma_wait3A_79 = tpu.memref_squeeze %dma_wait3A_78 : memref<1x24576xf32, #tpu.memory_space<hbm>> -> memref<24576xf32, #tpu.memory_space<hbm>>
      %dma_wait3A_80 = arith.constant 0 : i32
      %dma_wait3A_81 = tpu.memref_slice %arg7[%dma_wait3A_80] : memref<49152xf32, #tpu.memory_space<vmem>> -> memref<24576xf32, #tpu.memory_space<vmem>>
      tpu.wait_dma2 semaphore(%run_scoped3A : memref<!tpu.dma_semaphore, #tpu.memory_space<semaphore_mem>>) src(%dma_wait3A_81 : memref<24576xf32, #tpu.memory_space<vmem>>) dst(%dma_wait3A_79 : memref<24576xf32, #tpu.memory_space<hbm>>)
      tpu.yield
    }) : () -> ()
    return
  }
}

module attributes {stable_mosaic.version = 14 : i64} {
  func.func @_tc_finalize(%arg0: memref<32x48x512xf32, #tpu.memory_space<vmem>>, %arg1: memref<1x1xf32, #tpu.memory_space<vmem>>) attributes {dimension_semantics = [], scalar_prefetch = 0 : i64, scratch_operands = 0 : i64, tpu.core_type = #tpu.core_type<tc>} {
    %get3A = arith.constant 0 : index
    %get3A_0 = arith.constant 0 : index
    %get3A_1 = arith.constant 0 : index
    %get3A_2 = vector.load %arg0[%get3A, %get3A_0, %get3A_1] : memref<32x48x512xf32, #tpu.memory_space<vmem>>, vector<32x48x512xf32>
    %reduce_sum3A = arith.constant dense<0.000000e+00> : vector<48x512xf32>
    %reduce_sum3A_3 = vector.multi_reduction <add>, %get3A_2, %reduce_sum3A [0] : vector<32x48x512xf32> to vector<48x512xf32>
    %slice3A = vector.extract_strided_slice %reduce_sum3A_3 {offsets = [0, 0], sizes = [24, 512], strides = [1, 1]} : vector<48x512xf32> to vector<24x512xf32>
    %slice3A_4 = vector.extract_strided_slice %reduce_sum3A_3 {offsets = [24, 0], sizes = [24, 512], strides = [1, 1]} : vector<48x512xf32> to vector<24x512xf32>
    %iota3A = tpu.iota {dimensions = array<i32: 1>} : vector<24x512xi32>
    %convert_element_type3A = arith.sitofp %iota3A : vector<24x512xi32> to vector<24x512xf32>
    %add3A = arith.constant 5.000000e-01 : f32
    %add3A_5 = vector.broadcast %add3A : f32 to vector<24x512xf32>
    %add3A_6 = arith.addf %convert_element_type3A, %add3A_5 : vector<24x512xf32>
    %div3A = arith.constant 6.400000e+01 : f32
    %div3A_7 = vector.broadcast %div3A : f32 to vector<24x512xf32>
    %div3A_8 = arith.divf %add3A_6, %div3A_7 : vector<24x512xf32>
    %mul3A = arith.mulf %slice3A, %div3A_8 : vector<24x512xf32>
    %mul3A_9 = arith.mulf %slice3A_4, %div3A_8 : vector<24x512xf32>
    %iota3A_10 = tpu.iota {dimensions = array<i32: 0>} : vector<512x512xi32>
    %iota3A_11 = tpu.iota {dimensions = array<i32: 1>} : vector<512x512xi32>
    %le3A = arith.cmpi sle, %iota3A_10, %iota3A_11 : vector<512x512xi32>
    %convert_element_type3A_12 = arith.extui %le3A : vector<512x512xi1> to vector<512x512xi32>
    %convert_element_type3A_13 = arith.sitofp %convert_element_type3A_12 : vector<512x512xi32> to vector<512x512xf32>
    %dot_general3A = arith.constant dense<0.000000e+00> : vector<24x512xf32>
    %dot_general3A_14 = tpu.matmul %slice3A, %convert_element_type3A_13, %dot_general3A {dimension_numbers = #tpu.dot_dimension_numbers<[1], [0], [0], [1], [0, 0, 1, 1], [], []>, transpose_lhs_hint = false} : vector<24x512xf32>, vector<512x512xf32>, vector<24x512xf32> -> vector<24x512xf32>
    %dot_general3A_15 = arith.constant dense<0.000000e+00> : vector<24x512xf32>
    %dot_general3A_16 = tpu.matmul %slice3A_4, %convert_element_type3A_13, %dot_general3A_15 {dimension_numbers = #tpu.dot_dimension_numbers<[1], [0], [0], [1], [0, 0, 1, 1], [], []>, transpose_lhs_hint = false} : vector<24x512xf32>, vector<512x512xf32>, vector<24x512xf32> -> vector<24x512xf32>
    %reduce_sum3A_17 = arith.constant dense<0.000000e+00> : vector<24xf32>
    %reduce_sum3A_18 = vector.multi_reduction <add>, %slice3A, %reduce_sum3A_17 [1] : vector<24x512xf32> to vector<24xf32>
    %broadcast_in_dim3A = vector.shape_cast %reduce_sum3A_18 : vector<24xf32> to vector<24x1xf32>
    %reduce_sum3A_19 = arith.constant dense<0.000000e+00> : vector<24xf32>
    %reduce_sum3A_20 = vector.multi_reduction <add>, %slice3A_4, %reduce_sum3A_19 [1] : vector<24x512xf32> to vector<24xf32>
    %broadcast_in_dim3A_21 = vector.shape_cast %reduce_sum3A_20 : vector<24xf32> to vector<24x1xf32>
    %sub3A = vector.broadcast %broadcast_in_dim3A : vector<24x1xf32> to vector<24x512xf32>
    %sub3A_22 = arith.subf %sub3A, %dot_general3A_14 : vector<24x512xf32>
    %sub3A_23 = vector.broadcast %broadcast_in_dim3A_21 : vector<24x1xf32> to vector<24x512xf32>
    %sub3A_24 = arith.subf %sub3A_23, %dot_general3A_16 : vector<24x512xf32>
    %add3A_25 = vector.broadcast %broadcast_in_dim3A_21 : vector<24x1xf32> to vector<24x512xf32>
    %add3A_26 = arith.addf %add3A_25, %sub3A_22 : vector<24x512xf32>
    %mul3A_27 = arith.constant 5.000000e-01 : f32
    %mul3A_28 = vector.broadcast %mul3A_27 : f32 to vector<24x512xf32>
    %mul3A_29 = arith.mulf %mul3A_28, %slice3A : vector<24x512xf32>
    %add3A_30 = arith.addf %add3A_26, %mul3A_29 : vector<24x512xf32>
    %max3A = arith.constant 5.000000e-01 : f32
    %max3A_31 = vector.broadcast %max3A : f32 to vector<24x512xf32>
    %max3A_32 = arith.maximumf %add3A_30, %max3A_31 : vector<24x512xf32>
    %add3A_33 = vector.broadcast %broadcast_in_dim3A_21 : vector<24x1xf32> to vector<24x512xf32>
    %add3A_34 = arith.addf %add3A_33, %sub3A_22 : vector<24x512xf32>
    %add3A_35 = arith.constant 1.000000e+00 : f32
    %add3A_36 = vector.broadcast %add3A_35 : f32 to vector<24x512xf32>
    %add3A_37 = arith.addf %slice3A, %add3A_36 : vector<24x512xf32>
    %mul3A_38 = arith.constant 5.000000e-01 : f32
    %mul3A_39 = vector.broadcast %mul3A_38 : f32 to vector<24x512xf32>
    %mul3A_40 = arith.mulf %mul3A_39, %add3A_37 : vector<24x512xf32>
    %add3A_41 = arith.addf %add3A_34, %mul3A_40 : vector<24x512xf32>
    %sub3A_42 = arith.constant 1.000000e+00 : f32
    %sub3A_43 = vector.broadcast %sub3A_42 : f32 to vector<24x512xf32>
    %sub3A_44 = arith.subf %add3A_41, %sub3A_43 : vector<24x512xf32>
    %mul3A_45 = arith.mulf %add3A_41, %sub3A_44 : vector<24x512xf32>
    %max3A_46 = arith.constant 2.500000e-01 : f32
    %max3A_47 = vector.broadcast %max3A_46 : f32 to vector<24x512xf32>
    %max3A_48 = arith.maximumf %mul3A_45, %max3A_47 : vector<24x512xf32>
    %div3A_49 = arith.divf %mul3A_9, %max3A_32 : vector<24x512xf32>
    %sub3A_50 = vector.broadcast %broadcast_in_dim3A_21 : vector<24x1xf32> to vector<24x512xf32>
    %sub3A_51 = arith.subf %sub3A_50, %sub3A_24 : vector<24x512xf32>
    %mul3A_52 = arith.constant 5.000000e-01 : f32
    %mul3A_53 = vector.broadcast %mul3A_52 : f32 to vector<24x512xf32>
    %mul3A_54 = arith.mulf %mul3A_53, %slice3A_4 : vector<24x512xf32>
    %sub3A_55 = arith.subf %sub3A_51, %mul3A_54 : vector<24x512xf32>
    %mul3A_56 = arith.mulf %mul3A, %sub3A_55 : vector<24x512xf32>
    %div3A_57 = arith.divf %mul3A_56, %max3A_48 : vector<24x512xf32>
    %add3A_58 = arith.addf %div3A_49, %div3A_57 : vector<24x512xf32>
    %reduce_sum3A_59 = arith.constant dense<0.000000e+00> : vector<24xf32>
    %reduce_sum3A_60 = vector.multi_reduction <add>, %add3A_58, %reduce_sum3A_59 [1] : vector<24x512xf32> to vector<24xf32>
    %broadcast_in_dim3A_61 = vector.shape_cast %reduce_sum3A_60 : vector<24xf32> to vector<24x1xf32>
    %gt3A = arith.constant 0.000000e+00 : f32
    %gt3A_62 = vector.broadcast %gt3A : f32 to vector<24x1xf32>
    %gt3A_63 = arith.cmpf ogt, %broadcast_in_dim3A_21, %gt3A_62 : vector<24x1xf32>
    %convert_element_type3A_64 = arith.extui %gt3A_63 : vector<24x1xi1> to vector<24x1xi32>
    %convert_element_type3A_65 = arith.sitofp %convert_element_type3A_64 : vector<24x1xi32> to vector<24x1xf32>
    %mul3A_66 = arith.mulf %broadcast_in_dim3A_61, %convert_element_type3A_65 : vector<24x1xf32>
    %reduce_sum3A_67 = vector.shape_cast %mul3A_66 : vector<24x1xf32> to vector<1x24x1xf32>
    %reduce_sum3A_68 = arith.constant dense<0.000000e+00> : vector<1xf32>
    %reduce_sum3A_69 = vector.multi_reduction <add>, %reduce_sum3A_67, %reduce_sum3A_68 [1, 2] : vector<1x24x1xf32> to vector<1xf32>
    %reduce_sum3A_70 = vector.shape_cast %reduce_sum3A_69 : vector<1xf32> to vector<1x1x1xf32>
    %reduce_sum3A_71 = vector.extract %reduce_sum3A_70[0, 0, 0] : f32 from vector<1x1x1xf32>
    %reduce_sum3A_72 = vector.shape_cast %convert_element_type3A_65 : vector<24x1xf32> to vector<1x24x1xf32>
    %reduce_sum3A_73 = arith.constant dense<0.000000e+00> : vector<1xf32>
    %reduce_sum3A_74 = vector.multi_reduction <add>, %reduce_sum3A_72, %reduce_sum3A_73 [1, 2] : vector<1x24x1xf32> to vector<1xf32>
    %reduce_sum3A_75 = vector.shape_cast %reduce_sum3A_74 : vector<1xf32> to vector<1x1x1xf32>
    %reduce_sum3A_76 = vector.extract %reduce_sum3A_75[0, 0, 0] : f32 from vector<1x1x1xf32>
    %max3A_77 = arith.constant 1.000000e+00 : f32
    %max3A_78 = arith.maximumf %reduce_sum3A_76, %max3A_77 : f32
    %div3A_79 = arith.divf %reduce_sum3A_71, %max3A_78 : f32
    %broadcast_in_dim3A_80 = vector.broadcast %div3A_79 : f32 to vector<1x1xf32>
    %swap3A = arith.constant 0 : index
    %swap3A_81 = arith.constant 0 : index
    %swap3A_82 = vector.load %arg1[%swap3A, %swap3A_81] : memref<1x1xf32, #tpu.memory_space<vmem>>, vector<1x1xf32>
    tpu.vector_store %arg1[%swap3A, %swap3A_81], %broadcast_in_dim3A_80 {strides = array<i32>} : memref<1x1xf32, #tpu.memory_space<vmem>>, vector<1x1xf32>,
    return
  }
}

</mosaic_0001>

<sc_bundles>
// kernel: kernel.4.cloned.1.call-start
scs
__scs_entry_jumppad:
0x0: {  	(pc) =	sbr.rel $0x88, $3  }
0x1: {  	(tag) =	ssettag $0x0;
	lr =	simm.s32 $0x1  }
0x2: {  	[smem:$0x3F9F] =	sst lr;
	_ =	strace $0xD0000000  }
0x3: {  	_ = 	snop  }
0x4: {  	_ = 	snop  }
0x5: {  	_ = 	snop  }
0x6: {  	_ = 	snop  }
0x7: {  	_ = 	snop  }
__scs_overlays_trampoline_lowered:
0x8: {  	[smem:$0x3FAE] =	sst s0  }
0x9: {  	[smem:$0x3FAF] =	sst s1  }
0xa: {  	[smem:$0x3FB0] =	sst s2  }
0xb: {  	[smem:$0x3FB1] =	sst s3  }
0xc: {  	[smem:$0x3FB2] =	sst s4  }
0xd: {  	[smem:$0x3FB3] =	sst s5  }
0xe: {  	[smem:$0x3FB4] =	sst s6  }
0xf: {  	[smem:$0x3FB5] =	sst s7  }
0x10: {  	[smem:$0x3FB6] =	sst s8  }
0x11: {  	[smem:$0x3FB7] =	sst s9;
	s0 =	simm.s32 @!p0 $0x0  }
0x12: {  	s1 =	sld [smem:$0x3F9D];
	s0 =	simm.s32 @p0 $0x1  }
0x13: {  	[smem:$0x3FB8] =	sst s0;
	s0 =	simm.s32 @!p1 $0x0  }
0x14: {  	s2 =	sld [smem:$0x3F9C];
	s0 =	simm.s32 @p1 $0x1  }
0x15: {  	[smem:$0x3FB9] =	sst s0;
	s0 =	simm.s32 @!p2 $0x0  }
0x16: {  	s3 =	sld [smem:$0x3FDB];
	s0 =	simm.s32 @p2 $0x1  }
0x17: {  	s4 =	simm.s32 $0x1BF5;
	[smem:$0x3FBB] =	sst s0  }
0x18: {  	s0 =	sld [smem:$0x3F9E];
	_ =	swait.ge [sflag:s4], $0x0  }
0x19: {  	s7 =	sld [smem:$0x3F9F]  }
0x1a: {  	s8 =	sadd.s32 $0xFFFFE003, lr  }
0x1b: {  	s9 =	sadd.s32 $0xFFFFFEF7, lr;
	s5 =	simm.s32 $0xFFFFFFFF;
	p2 =	slt.u32 s8, $0xFFFFF086  }
0x1c: {  	p1 =	slt.u32 s9, $0xF7A;
	s5 =	simm.s32 @!p2 $0x0  }
0x1d: {  	s5 =	simm.s32 @p1 $0x1;
	p0 =	seq.s32 s7, s2  }
0x1e: {  	s7 =	smul.u32 @!p0 $0xF7A, s2;
	p2 =	seq.s32 @!p0 s5, $0x0  }
0x1f: {  	s9 =	smul.u32 $0xF7A, s1;
	s8 =	simm.s32 @!p0 $0x1BF5;
	p2 =	por !p2, p0  }
0x20: {  	[sflag:s8] =	ssyncset.s32 @!p0 $0xFFFFF086;
	s6 =	sadd.s32 @!p0 s3, s7;
	s7 =	simm.s32 @!p0 $0x108  }
0x21: {  	s3 =	sadd.s32 s3, s9;
	s6 =	sadd.s32 @!p0 $0x88, s6;
	s7 =	simm.s32 @p2 $0x1082  }
0x22: {  	[simem:s7], [sflag:s8] =	dma.local @!p0 [hbm:s6], $0xF7A  }
0x23: {  	s9 =	sor.u32 $0xD0000000, s2;
	s6 =	simm.s32 $0x108;
	_ =	swait.ge @!p0 [sflag:s8], $0x0  }
0x24: {  	s3 =	sadd.s32 $0x88, s3;
	s6 =	simm.s32 @!p1 $0x1082;
	[sflag:s4] =	ssyncset.s32 $0xFFFFF086  }
0x25: {  	[simem:s6], [sflag:s4] =	dma.local [hbm:s3], $0xF7A  }
0x26: {  	[smem:$0x3F9F] =	sst s1;
	(tag) =	ssettag s2;
	_ =	strace s9  }
0x27: {  	s1 =	sld [smem:$0x3FAF]  }
0x28: {  	s2 =	sld [smem:$0x3FB0]  }
0x29: {  	s4 =	sld [smem:$0x3FB2]  }
0x2a: {  	p0 =	seq.s32 s5, $0x0;
	s5 =	sld [smem:$0x3FB3]  }
0x2b: {  	s6 =	sld [smem:$0x3FB4]  }
0x2c: {  	s7 =	sld [smem:$0x3FB5]  }
0x2d: {  	s3 =	simm.s32 $0x108;
	s8 =	sld [smem:$0x3FB6]  }
0x2e: {  	s3 =	simm.s32 @!p0 $0x1082;
	s9 =	sld [smem:$0x3FB7]  }
0x2f: {  	lr =	sadd.s32 s0, s3;
	s0 =	sld [smem:$0x3FAE]  }
0x30: {  	s3 =	sld [smem:$0x3FB1]  }
0x31: {  	[smem:$0x3FBA] =	sst s10  }
0x32: {  	s10 =	sld [smem:$0x3FB8];
	_ =	sdelay $0x3  }
0x33: {  	p0 =	seq.s32 s10, $0x1;
	s10 =	sld [smem:$0x3FBA];
	_ =	sdelay $0x3  }
0x34: {  	[smem:$0x3FBA] =	sst s10  }
0x35: {  	s10 =	sld [smem:$0x3FB9];
	_ =	sdelay $0x3  }
0x36: {  	p1 =	seq.s32 s10, $0x1;
	s10 =	sld [smem:$0x3FBA];
	_ =	sdelay $0x3  }
0x37: {  	[smem:$0x3FBA] =	sst s10  }
0x38: {  	s10 =	sld [smem:$0x3FBB]  }
0x39: {  	_ = 	snop;
	(pc) =	sbr.ind lr, $3  }
0x3a: {  	_ = 	snop  }
0x3b: {  	_ = 	snop  }
0x3c: {  	p2 =	seq.s32 s10, $0x1;
	s10 =	sld [smem:$0x3FBA]  }
0x3d: {  	_ =	shalt  }
0x3e: {  	_ =	shalt  }
0x3f: {  	_ =	shalt  }
0x40: {  	_ =	shalt  }
0x41: {  	_ =	shalt  }
0x42: {  	_ =	shalt  }
0x43: {  	_ =	shalt  }
0x44: {  	_ =	shalt  }
0x45: {  	_ =	shalt  }
0x46: {  	_ =	shalt  }
0x47: {  	_ =	shalt  }
0x48: {  	_ =	shalt  }
0x49: {  	_ =	shalt  }
0x4a: {  	_ =	shalt  }
0x4b: {  	_ =	shalt  }
0x4c: {  	_ =	shalt  }
0x4d: {  	_ =	shalt  }
0x4e: {  	_ =	shalt  }
0x4f: {  	_ =	shalt  }
0x50: {  	_ =	shalt  }
0x51: {  	_ =	shalt  }
0x52: {  	_ =	shalt  }
0x53: {  	_ =	shalt  }
0x54: {  	_ =	shalt  }
0x55: {  	_ =	shalt  }
0x56: {  	_ =	shalt  }
0x57: {  	_ =	shalt  }
0x58: {  	_ =	shalt  }
0x59: {  	_ =	shalt  }
0x5a: {  	_ =	shalt  }
0x5b: {  	_ =	shalt  }
0x5c: {  	_ =	shalt  }
0x5d: {  	_ =	shalt  }
0x5e: {  	_ =	shalt  }
0x5f: {  	_ =	shalt  }
0x60: {  	_ =	shalt  }
0x61: {  	_ =	shalt  }
0x62: {  	_ =	shalt  }
0x63: {  	_ =	shalt  }
0x64: {  	_ =	shalt  }
0x65: {  	_ =	shalt  }
0x66: {  	_ =	shalt  }
0x67: {  	_ =	shalt  }
0x68: {  	_ =	shalt  }
0x69: {  	_ =	shalt  }
0x6a: {  	_ =	shalt  }
0x6b: {  	_ =	shalt  }
0x6c: {  	_ =	shalt  }
0x6d: {  	_ =	shalt  }
0x6e: {  	_ =	shalt  }
0x6f: {  	_ =	shalt  }
0x70: {  	_ =	shalt  }
0x71: {  	_ =	shalt  }
0x72: {  	_ =	shalt  }
0x73: {  	_ =	shalt  }
0x74: {  	_ =	shalt  }
0x75: {  	_ =	shalt  }
0x76: {  	_ =	shalt  }
0x77: {  	_ =	shalt  }
0x78: {  	_ =	shalt  }
0x79: {  	_ =	shalt  }
0x7a: {  	_ =	shalt  }
0x7b: {  	_ =	shalt  }
0x7c: {  	_ =	shalt  }
0x7d: {  	_ =	shalt  }
0x7e: {  	_ =	shalt  }
0x7f: {  	_ =	shalt  }
0x80: {  	_ =	shalt  }
0x81: {  	_ =	shalt  }
0x82: {  	_ =	shalt  }
0x83: {  	_ =	shalt  }
0x84: {  	_ =	shalt  }
0x85: {  	_ =	shalt  }
0x86: {  	_ =	shalt  }
0x87: {  	_ =	shalt  }
.Lfunc_end0:
.L_simem_size_0:
called_computation_lowered:
.L_overlay_start_0:
0x88: {  	s2 =	sld [smem:$0x3FD9]  }
0x89: {  	s3 =	sld [smem:$0x3FFE];
	_ =	sdelay $0x1  }
0x8a: {  	s1 =	srdreg.scid  }
0x8b: {  	s0 =	sand.u32 $0x1, s1  }
0x8c: {  	s16 =	sshll.u32 s0, $0xA;
	s2 =	sadd.s32 s3, s2  }
0x8d: {  	s2 =	sadd.s32 s2, s16  }
0x8e: {  	[smem:$0x3FC6] =	sst s2  }
0x8f: {  	_ = 	snop  }
0x90: {  	(tm) =	ssettm $0x1  }
0x91: {  	s17 =	sld [smem:$0x3FFB];
	_ =	sdelay $0x3  }
0x92: {  	_ =	strace s17  }
0x93: {  	s2 =	sld [smem:$0x3FFC];
	_ =	sdelay $0x3  }
0x94: {  	_ =	strace s2  }
0x95: {  	s2 =	sld [smem:$0x3FFD];
	_ =	sdelay $0x3  }
0x96: {  	_ =	strace s2  }
0x97: {  	_ =	strace $0x8FFFFFFF  }
0x98: {  	s18 =	sld [smem:$0x3FDB];
	_ =	sdelay $0x1  }
0x99: {  	s19 =	simm.s32 $_scs_section_size  }
0x9a: {  	s4 =	simm.s32 $_size__tile_overlayer_lowered;
	s5 =	simm.s32 $_tile_overlayer_lowered  }
0x9b: {  	s22 =	simm.s32 $0x1BFF;
	s21 =	sshll.u32 s5, $0x1;
	s2 =	sadd.s32 s19, s18  }
0x9c: {  	s6 =	simm.s32 $0x0;
	s20 =	sshll.u32 s4, $0x1;
	s4 =	sadd.s32 s21, s2  }
0x9d: {  	[timem:s6], [sflag:s22] =	dma.local [hbm:s4], s20  }
0x9e: {  	_ =	swait.ge [sflag:s22], s20  }
0x9f: {  	s3 =	ssub.s32 $0x0, s20;
	[sflag:s22] =	ssyncset.done $0x0  }
0xa0: {  	[sflag:s22] =	ssyncadd.s32 s3;
	_ =	sdelay $0x1  }
0xa1: {  	s23 =	simm.s32 $0x1B8B  }
0xa2: {  	_ =	swait.ge [sflag:s23], $0x1  }
0xa3: {  	[sflag:s23] =	ssyncset.done $0x0  }
0xa4: {  	s25 =	simm.s32 $0x1B8E;
	s24 =	sld [smem:$0x3FFE];
	[sflag:s23] =	ssyncadd.s32 $0xFFFFFFFF  }
0xa5: {  	s26 =	simm.s32 $execute0_lowered;
	[smem:$0x3FD2] =	sst s25  }
0xa6: {  	s4 =	sshll.u32 s26, $0x1;
	_ =	strace $0x80000046;
	[dreg:$0x1] =	wrdreg $0xFFFFFFFF  }
0xa7: {  	s28 =	simm.s32 $_size_execute0_lowered;
	s2 =	sadd.s32 s2, s4;
	[dreg:$0x0] =	wrdreg $0x0  }
0xa8: {  	s4 =	sshll.u32 s28, $0x1;
	[dreg:$0x2] =	wrdreg s2  }
0xa9: {  	[dreg:$0x3] =	wrdreg s4  }
0xaa: {  	[dreg:$0x4] =	wrdreg $0xC0  }
0xab: {  	_ =	task [dreg:s6], $0x5FFFF  }
0xac: {  	[dreg:$0x1] =	wrdreg $0xFFFFFFFF  }
0xad: {  	[dreg:$0x0] =	wrdreg $0x60  }
0xae: {  	[dreg:$0x2] =	wrdreg s24  }
0xaf: {  	[dreg:$0x3] =	wrdreg $0x9  }
0xb0: {  	_ =	task.clear_ibuf [dreg:s6], $0x4FFFF;
	_ =	strace $0x90000046  }
0xb1: {  	s29 =	simm.s32 $0x9;
	_ =	strace $0x80000048  }
0xb2: {  	_ =	swait.ge [sflag:s29], $0x1  }
0xb3: {  	[sflag:s29] =	ssyncadd.s32 $0xFFFFFFFF  }
0xb4: {  	_ =	strace $0x90000048  }
0xb5: {  	_ =	sfence  }
0xb6: {  	s30 =	sld [smem:$0x0];
	_ =	sdelay $0x2  }
0xb7: {  	s31 =	sshll.u32 s1, $0xD;
	s1 =	sshrl.u32 s1, $0x2  }
0xb8: {  	s3 =	sand.u32 $0x4000, s31;
	s1 =	sadd.s32 s1, s30  }
0xb9: {  	s0 =	sor.u32 s3, s0;
	s1 =	sshll.u32 s1, $0x11  }
0xba: {  	s0 =	sor.u32 s1, s0  }
0xbb: {  	s0 =	sadd.s32 $0x8F2B, s0  }
0xbc: {  	[sflag:s0] =	ssyncadd.remote.s32 $0x1  }
0xbd: {  	_ =	sfence.sel $0xFFFF  }
0xbe: {  	[dreg:$0x0] =	wrdreg $0xFFFFFFFF;
	(pc) =	sbr.abs _section_cstart, $3  }
0xbf: {  	[dreg:$0x1] =	wrdreg $0xFFFFFFFF  }
0xc0: {  	_ =	task.clear_ibuf [dreg:s6], $0x2FFFF;
	_ =	strace $0x9FFFFFFF  }
0xc1: {  	(tm) =	ssettm $0x7FFFFFFF  }
tec
execute0_lowered:
.L_overlay_start_1:
0x0: {  	(tag) =	ssettag $0x1  }
0x1: {  	s5 =	rddreg [dreg:$0x0];
	s1 =	stileid.u32  }
0x2: {  	s2 =	srdreg.scid;
	s0 =	rddreg [dreg:$0x1];
	s12 =	simm.s32 $0x2  }
0x3: {  	s13 =	simm.s32 $0x400;
	s14 =	simm.s32 $0x8000;
	s15 =	simm.s32 $0x1  }
0x4: {  	s16 =	simm.s32 $0x10000;
	s6 =	sand.u32 $0x1, s2;
	s3 =	sshll.u32 s1, $0x1  }
0x5: {  	s2 =	simm.s32 $0x0;
	s4 =	sshrl.u32 s1, $0x2;
	s7 =	sor.u32 s6, s3  }
0x6: {  	[smem:$0x7FF] =	sst s2;
	s8 =	smul.u32 $0x30000, s4;
	s10 =	sshll.u32 s4, $0x4  }
0x7: {  	s4 =	smul.u32 $0x600000, s4;
	s6 =	ssub.s32 $0x2, s6;
	s3 =	sshll.u32 s7, $0x7  }
0x8: {  	_ =	strace $0x80000047;
	s25 =	sadd.s32 s10, s5;
	s26 =	sand.u32 $0x7, s7  }
0x9: {  	s28 =	sshrl.u32 s6, $0x1;
	s10 =	simm.s32 $0x80;
	s9 =	sand.u32 $0x380, s3  }
0xa: {  	s3 =	sadd.s32 $0x20400, s5;
	s29 =	sshll.u32 s26, $0xE;
	s11 =	sshrl.u32 s4, $0x3  }
0xb: {  	s31 =	ssub.s32 s6, s28;
	s8 =	sor.u32 s8, s9;
	s9 =	sadd.s32 s29, s25  }
0xc: {  	s30 =	sadd.s32 s3, s11;
	s11 =	simm.s32 $0x200;
	s8 =	sshrl.u32 s8, $0x3  }
0xd: {  	s6 =	sadd.s32 $0x400, s9;
	s8 =	sadd.s32 s8, s5;
	s5 =	sshll.u32 s26, $0xF  }
0xe: {  	v0 =	vimm.f32 $0.0e+00;
	v1 =	vimm.f32 $1.000000000e+00;
	v2 =	vimm.s32 $0x0;
	s9 =	smax.u32 s31, $0x1;
	s7 =	sadd.s32 s5, s30;
	s8 =	sadd.s32 $0x320400, s8  }
.LBB2_1:
0xf: {  	s17 =	simm.s32 $0x40;
	s18 =	simm.s32 $0x0  }
.LBB2_2:
0x10: {  	p0 =	sne.s32 s17, $0x2FFC0;
	[tilespmem:s18+$0x10000] =	vst v0;
	s18 =	smov.u32 s17;
	s17 =	sadd.s32 $0x40, s17  }
.Ltmp0:
0x11: {  	(pc) =	sbr.rel @p0 .LBB2_2-.Ltmp0, $2  }
0x12: {  	_ =	sdelay $0x2  }
0x13: {  	s18 =	sshra.s32 s18, $0x2  }
0x14: {  	[tilespmem:s18+$0x10000] =	vst v0;
	s17 =	simm.s32 $0x0  }
0x15: {  	[tilespmem:s17], [sflag:$0x2] =	stream.strided.gather [hbm4b:s6+s10], $0x8000, s11, s10, $0x38;
	[tilespmem:$0x1C000] =	vst v63  }
0x16: {  	_ =	swait.ge [sflag:s12], $0x8000  }
0x17: {  	[sflag:s12] =	ssyncset.done $0x0  }
0x18: {  	p0 =	por $0x0, $0x0;
	[sflag:s12] =	ssyncadd.s32 $0xFFFF8000  }
0x19: {  	[tilespmem:s14], [sflag:$0x1] =	stream.strided.gather [hbm4b:s7+s10], $0x4000, s13, s10, $0x38;
	[tilespmem:$0x1C000] =	vst v63  }
.LBB2_4:
0x1a: {  	s19 =	smov.u32 s17  }
0x1b: {  	s17 =	sadd.s32 $0x1, s17;
	p1 =	seq.s32 s19, $0x25  }
0x1c: {  	s18 =	simm.s32 $0x1;
	s20 =	sshll.u32 @!p1 s17, $0xE  }
0x1d: {  	_ =	swait.ge [sflag:s15], $0x4000;
	s21 =	sshll.u32 @!p1 s17, $0x11;
	s22 =	sand.u32 @!p1 $0x4000, s20  }
0x1e: {  	s18 =	simm.s32 @!p0 $0x0;
	s20 =	sand.u32 @!p1 $0xE00000, s21;
	s21 =	sor.u32 @!p1 s5, s22  }
0x1f: {  	s23 =	sshll.u32 @!p1 s17, $0x6;
	s20 =	sadd.s32 @!p1 s4, s20;
	s21 =	sshll.u32 @!p1 s21, $0x3  }
0x20: {  	[sflag:s15] =	ssyncset.done $0x0;
	s23 =	sand.u32 @!p1 $0x380, s23;
	s21 =	sor.u32 @!p1 s21, s20  }
0x21: {  	s18 =	sshll.u32 s18, $0xE;
	[sflag:s15] =	ssyncadd.s32 $0xFFFFC000;
	s21 =	sor.u32 @!p1 s23, s21  }
0x22: {  	s24 =	simm.s32 @!p1 $0x400;
	s31 =	sor.u32 $0x40, s18;
	s21 =	sshrl.u32 @!p1 s21, $0x3  }
0x23: {  	s22 =	sor.u32 @!p1 $0x8000, s22;
	s23 =	simm.s32 @!p1 $0x80;
	s21 =	sadd.s32 @!p1 s3, s21  }
0x24: {  	[tilespmem:s22], [sflag:$0x1] =	stream.strided.gather @!p1 [hbm4b:s21+s23], $0x4000, s24, s23, $0x38;
	[tilespmem:$0x1C000] =	vst v63  }
0x25: {  	v3 =	vld [tilespmem:s31+$0x30]  }
0x26: {  	s18 =	sor.u32 $0x8040, s18;
	v4 =	vld [tilespmem:s31+$0xFFFFFFC0]  }
0x27: {  	v6 =	vld [tilespmem:s18+$0x30]  }
0x28: {  	v7 =	vld [tilespmem:s31+$0xFFFFFFD0]  }
0x29: {  	v8 =	vld [tilespmem:s31+$0xFFFFFFE0]  }
0x2a: {  	s19 =	sshrl.u32 s19, $0x1;
	v9 =	vld [tilespmem:s31+$0xFFFFFFF0]  }
0x2b: {  	v5 =	vmov s19;
	v10 =	vld [tilespmem:s31+$0x0]  }
0x2c: {  	s19 =	sshll.u32 s19, $0x9;
	v13 =	vld [tilespmem:s31+$0x10];
	vm4 =	veq.s32 v3, v5  }
0x2d: {  	v22 =	vld [tilespmem:s18+$0xFFFFFFC0];
	v3 =	vmov s19;
	vm0 =	veq.s32 v4, v5;
	vm1 =	veq.s32 v7, v5  }
0x2e: {  	v7 =	vld [tilespmem:s31+$0x20];
	vm5 =	veq.s32 v8, v5;
	v11 =	vsel vm4, $0x3F800000, v0;
	v12 =	vsel vm0, $0x3000, v2  }
0x2f: {  	v14 =	vsel vm0, $0x3F800000, v0;
	v15 =	vsel vm1, $0x3F800000, v0;
	vm0 =	veq.s32 v9, v5;
	v9 =	vld [tilespmem:s18+$0xFFFFFFF0]  }
0x30: {  	s19 =	sadd.s32 $0x6000, s19;
	v17 =	vsel vm1, $0x3000, v2;
	vm1 =	veq.s32 v10, v5;
	v10 =	vld [tilespmem:s18+$0x0];
	v11 =	vsub.f32 v11, v6  }
0x31: {  	vm2 =	veq.s32 v13, v5;
	v4 =	vmov s19;
	v6 =	vadd.s32 v3, v12;
	v12 =	vld [tilespmem:s18+$0xFFFFFFD0]  }
0x32: {  	v16 =	vsel vm5, $0x3F800000, v0;
	v20 =	vsel vm2, $0x3F800000, v0;
	v8 =	vand.u32 $0x7FFFFFFF, v11;
	v11 =	vld [tilespmem:s18+$0xFFFFFFE0]  }
0x33: {  	v18 =	vsel vm0, $0x3F800000, v0;
	v8 =	vmul.f32 $6.400000000e+01, v8;
	vm3 =	veq.s32 v7, v5  }
0x34: {  	v19 =	vsel vm1, $0x3F800000, v0;
	v14 =	vsub.f32 v14, v22;
	v21 =	vsel vm3, $0x3F800000, v0  }
0x35: {  	v9 =	vsub.f32 v18, v9;
	v10 =	vsub.f32 v19, v10;
	v8 =	vtrunc.f32 v8  }
0x36: {  	v7 =	vcvt.f32.s32 v8;
	v8 =	vsub.f32 v15, v12;
	v12 =	vsel vm5, $0x3000, v2  }
0x37: {  	v13 =	vld [tilespmem:s18+$0x10];
	v9 =	vand.u32 $0x7FFFFFFF, v9;
	v10 =	vand.u32 $0x7FFFFFFF, v10;
	v11 =	vsub.f32 v16, v11  }
0x38: {  	v15 =	vld [tilespmem:s18+$0x20];
	v16 =	vsel vm4, $0x3000, v2;
	v9 =	vmul.f32 $6.400000000e+01, v9;
	v10 =	vmul.f32 $6.400000000e+01, v10  }
0x39: {  	v12 =	vadd.s32 v3, v12;
	vm5 =	vlt.s32 v7, $0x1FF;
	v8 =	vand.u32 $0x7FFFFFFF, v8  }
0x3a: {  	v16 =	vadd.s32 v4, v16;
	v7 =	vnsel vm5, $0x1FF, v7;
	v8 =	vmul.f32 $6.400000000e+01, v8  }
0x3b: {  	v62 =	vtrunc.f32 v10;
	v10 =	vsel vm3, $0x3000, v2;
	v23 =	vadd.s32 v7, v16  }
0x3c: {  	v7 =	vand.u32 $0x7FFFFFFF, v11;
	v11 =	vsub.f32 v20, v13;
	v20 =	vtrunc.f32 v9  }
0x3d: {  	v13 =	vsub.f32 v21, v15;
	v15 =	vmul.f32 $6.400000000e+01, v7;
	v16 =	vtrunc.f32 v8  }
0x3e: {  	v7 =	vand.u32 $0x7FFFFFFF, v11;
	v19 =	vcvt.f32.s32 v16;
	v16 =	vcvt.f32.s32 v20  }
0x3f: {  	v11 =	vand.u32 $0x7FFFFFFF, v13;
	v13 =	vand.u32 $0x7FFFFFFF, v14;
	v14 =	vmul.f32 $6.400000000e+01, v7  }
0x40: {  	v9 =	vsel vm2, $0x3000, v2;
	v15 =	vtrunc.f32 v15;
	v13 =	vmul.f32 $6.400000000e+01, v13  }
0x41: {  	v8 =	vsel vm1, $0x3000, v2;
	v11 =	vmul.f32 $6.400000000e+01, v11;
	v15 =	vcvt.f32.s32 v15  }
0x42: {  	v7 =	vsel vm0, $0x3000, v2;
	v14 =	vtrunc.f32 v14;
	v13 =	vtrunc.f32 v13  }
0x43: {  	v63 =	vtrunc.f32 v11;
	v11 =	vadd.s32 v4, v17;
	v17 =	vcvt.f32.s32 v62  }
0x44: {  	vm5 =	vlt.s32 v19, $0x1FF;
	v18 =	vcvt.f32.s32 v13;
	v13 =	vcvt.f32.s32 v14  }
0x45: {  	vm4 =	vlt.s32 v16, $0x1FF;
	vm1 =	vlt.s32 v15, $0x1FF;
	v14 =	vcvt.f32.s32 v63  }
0x46: {  	s20 =	sadd.s32 $0x80, s31;
	s19 =	simm.s32 $0x0;
	[tilespmem:v23+s16+$0x0] =	vst.idx.add.f32.msk $0xffff, v1;
	vm3 =	vlt.s32 v17, $0x1FF;
	vm2 =	vlt.s32 v18, $0x1FF;
	vm0 =	vlt.s32 v13, $0x1FF  }
.LBB2_5:
0x47: {  	v20 =	vld [tilespmem:s20+$0x30];
	s19 =	sadd.s32 $0x8, s19;
	v18 =	vnsel vm2, $0x1FF, v18;
	v19 =	vnsel vm5, $0x1FF, v19;
	vm2 =	vlt.s32 v14, $0x1FF  }
0x48: {  	v15 =	vnsel vm1, $0x1FF, v15;
	v16 =	vnsel vm4, $0x1FF, v16;
	v17 =	vnsel vm3, $0x1FF, v17;
	s18 =	sadd.s32 $0x80, s18;
	v21 =	vld [tilespmem:s20+$0xFFFFFFC0];
	p1 =	slt.u32 s19, $0x3F8  }
0x49: {  	v7 =	vadd.s32 v4, v7;
	v13 =	vnsel vm0, $0x1FF, v13;
	v14 =	vnsel vm2, $0x1FF, v14;
	v22 =	vld [tilespmem:s18+$0x30]  }
0x4a: {  	v8 =	vadd.s32 v3, v8;
	v9 =	vadd.s32 v4, v9;
	v10 =	vadd.s32 v3, v10;
	v23 =	vld [tilespmem:s20+$0xFFFFFFD0]  }
0x4b: {  	v18 =	vadd.s32 v18, v6;
	v11 =	vadd.s32 v19, v11;
	v12 =	vadd.s32 v15, v12;
	v24 =	vld [tilespmem:s20+$0xFFFFFFE0]  }
0x4c: {  	v7 =	vadd.s32 v16, v7;
	v8 =	vadd.s32 v17, v8;
	v15 =	vld [tilespmem:s20+$0xFFFFFFF0];
	vm4 =	veq.s32 v20, v5  }
0x4d: {  	v9 =	vadd.s32 v13, v9;
	vm0 =	veq.s32 v21, v5;
	v16 =	vld [tilespmem:s20+$0x0];
	v6 =	vsel vm4, $0x3F800000, v0  }
0x4e: {  	v13 =	vsel vm0, $0x3F800000, v0;
	v17 =	vsel vm0, $0x3000, v2;
	v19 =	vld [tilespmem:s20+$0x10];
	v20 =	vsub.f32 v6, v22  }
0x4f: {  	v10 =	vadd.s32 v14, v10;
	v6 =	vadd.s32 v3, v17;
	vm1 =	veq.s32 v23, v5;
	v17 =	vld [tilespmem:s20+$0x20]  }
0x50: {  	v14 =	vld [tilespmem:s18+$0xFFFFFFD0];
	v21 =	vsel vm1, $0x3F800000, v0;
	vm5 =	veq.s32 v24, v5;
	v20 =	vand.u32 $0x7FFFFFFF, v20  }
0x51: {  	v22 =	vld [tilespmem:s18+$0xFFFFFFE0];
	v23 =	vsel vm5, $0x3F800000, v0;
	vm0 =	veq.s32 v15, v5;
	v15 =	vmul.f32 $6.400000000e+01, v20  }
0x52: {  	v20 =	vsel vm1, $0x3000, v2;
	v24 =	vld [tilespmem:s18+$0xFFFFFFF0];
	v25 =	vsel vm0, $0x3F800000, v0;
	vm1 =	veq.s32 v16, v5  }
0x53: {  	v16 =	vld [tilespmem:s18+$0x0];
	v26 =	vsel vm1, $0x3F800000, v0;
	vm2 =	veq.s32 v19, v5;
	v15 =	vtrunc.f32 v15  }
0x54: {  	v19 =	vld [tilespmem:s18+$0x10];
	v27 =	vsel vm2, $0x3F800000, v0;
	vm3 =	veq.s32 v17, v5;
	v15 =	vcvt.f32.s32 v15  }
0x55: {  	v17 =	vsel vm5, $0x3000, v2;
	v14 =	vsub.f32 v21, v14;
	v21 =	vld [tilespmem:s18+$0x20];
	v28 =	vsel vm3, $0x3F800000, v0  }
0x56: {  	v29 =	vld [tilespmem:s18+$0xFFFFFFC0];
	v22 =	vsub.f32 v23, v22;
	vm5 =	vlt.s32 v15, $0x1FF;
	v23 =	vsel vm4, $0x3000, v2  }
0x57: {  	v24 =	vsub.f32 v25, v24;
	v15 =	vnsel vm5, $0x1FF, v15;
	v23 =	vadd.s32 v4, v23;
	[tilespmem:v18+s16+$0x0] =	vst.idx.add.f32.msk $0xffff, v1  }
0x58: {  	v14 =	vand.u32 $0x7FFFFFFF, v14;
	v16 =	vsub.f32 v26, v16;
	v15 =	vadd.s32 v15, v23;
	[tilespmem:v11+s16+$0x0] =	vst.idx.add.f32.msk $0xffff, v1  }
0x59: {  	v11 =	vand.u32 $0x7FFFFFFF, v22;
	v18 =	vand.u32 $0x7FFFFFFF, v24;
	v19 =	vsub.f32 v27, v19;
	[tilespmem:v12+s16+$0x0] =	vst.idx.add.f32.msk $0xffff, v1  }
0x5a: {  	v12 =	vmul.f32 $6.400000000e+01, v14;
	v14 =	vand.u32 $0x7FFFFFFF, v16;
	v16 =	vsub.f32 v28, v21;
	[tilespmem:v7+s16+$0x0] =	vst.idx.add.f32.msk $0xffff, v1  }
0x5b: {  	v11 =	vmul.f32 $6.400000000e+01, v11;
	v7 =	vsub.f32 v13, v29;
	v13 =	vand.u32 $0x7FFFFFFF, v19;
	[tilespmem:v8+s16+$0x0] =	vst.idx.add.f32.msk $0xffff, v1  }
0x5c: {  	v8 =	vmul.f32 $6.400000000e+01, v18;
	v14 =	vmul.f32 $6.400000000e+01, v14;
	v16 =	vand.u32 $0x7FFFFFFF, v16;
	[tilespmem:v9+s16+$0x0] =	vst.idx.add.f32.msk $0xffff, v1  }
0x5d: {  	v13 =	vmul.f32 $6.400000000e+01, v13;
	v7 =	vand.u32 $0x7FFFFFFF, v7;
	v16 =	vmul.f32 $6.400000000e+01, v16;
	[tilespmem:v15+s16+$0x0] =	vst.idx.add.f32.msk $0xffff, v1  }
0x5e: {  	v12 =	vtrunc.f32 v12;
	v9 =	vmul.f32 $6.400000000e+01, v7;
	v7 =	vsel vm0, $0x3000, v2;
	[tilespmem:v10+s16+$0x0] =	vst.idx.add.f32.msk $0xffff, v1  }
0x5f: {  	v15 =	vtrunc.f32 v11;
	v21 =	vtrunc.f32 v8;
	v8 =	vsel vm1, $0x3000, v2  }
0x60: {  	v14 =	vtrunc.f32 v14;
	v11 =	vtrunc.f32 v9;
	v9 =	vsel vm2, $0x3000, v2  }
0x61: {  	v13 =	vtrunc.f32 v13;
	v10 =	vsel vm3, $0x3000, v2;
	v22 =	vtrunc.f32 v16  }
.Ltmp1:
0x62: {  	v19 =	vcvt.f32.s32 v12;
	v18 =	vcvt.f32.s32 v11;
	v11 =	vadd.s32 v4, v20;
	(pc) =	sbr.rel @p1 .LBB2_5-.Ltmp1, $4  }
0x63: {  	v12 =	vadd.s32 v3, v17;
	v15 =	vcvt.f32.s32 v15;
	v16 =	vcvt.f32.s32 v21  }
0x64: {  	v17 =	vcvt.f32.s32 v14;
	v13 =	vcvt.f32.s32 v13;
	vm2 =	vlt.s32 v18, $0x1FF  }
0x65: {  	vm5 =	vlt.s32 v19, $0x1FF;
	vm1 =	vlt.s32 v15, $0x1FF;
	v14 =	vcvt.f32.s32 v22  }
0x66: {  	s20 =	sadd.s32 $0x80, s20;
	vm3 =	vlt.s32 v17, $0x1FF;
	vm4 =	vlt.s32 v16, $0x1FF;
	vm0 =	vlt.s32 v13, $0x1FF  }
0x67: {  	v5 =	vnsel vm2, $0x1FF, v18  }
0x68: {  	v58 =	vnsel vm5, $0x1FF, v19;
	v5 =	vadd.s32 v5, v6  }
0x69: {  	vm15 =	vlt.s32 v14, $0x1FF;
	v59 =	vnsel vm1, $0x1FF, v15;
	v11 =	vadd.s32 v58, v11  }
0x6a: {  	v60 =	vnsel vm4, $0x1FF, v16;
	v7 =	vadd.s32 v4, v7;
	v6 =	vadd.s32 v59, v12  }
0x6b: {  	v61 =	vnsel vm3, $0x1FF, v17;
	v8 =	vadd.s32 v3, v8;
	v7 =	vadd.s32 v60, v7  }
0x6c: {  	v13 =	vnsel vm0, $0x1FF, v13;
	v62 =	vadd.s32 v4, v9;
	v8 =	vadd.s32 v61, v8  }
0x6d: {  	v3 =	vadd.s32 v3, v10;
	v63 =	vnsel vm15, $0x1FF, v14;
	v4 =	vadd.s32 v13, v62;
	[tilespmem:v5+s16+$0x0] =	vst.idx.add.f32.msk $0xffff, v1  }
0x6e: {  	p1 =	seq.s32 s17, $0x26;
	v3 =	vadd.s32 v63, v3;
	[tilespmem:v11+s16+$0x0] =	vst.idx.add.f32.msk $0xffff, v1  }
.Ltmp2:
0x6f: {  	[tilespmem:v6+s16+$0x0] =	vst.idx.add.f32.msk $0xffff, v1;
	(pc) =	sbr.rel @!p1 .LBB2_4-.Ltmp2, $4  }
0x70: {  	[tilespmem:v7+s16+$0x0] =	vst.idx.add.f32.msk $0xffff, v1  }
0x71: {  	[tilespmem:v8+s16+$0x0] =	vst.idx.add.f32.msk $0xffff, v1  }
0x72: {  	[tilespmem:v4+s16+$0x0] =	vst.idx.add.f32.msk $0xffff, v1  }
0x73: {  	p0 =	por !p0, !p0;
	[tilespmem:v3+s16+$0x0] =	vst.idx.add.f32.msk $0xffff, v1  }
0x74: {  	s18 =	simm.s32 $0x0  }
0x75: {  	s18 =	sand.u32 $0x7FF0, s18  }
0x76: {  	s17 =	simm.s32 $0x10000;
	v3 =	vld [tilespmem:s18+$0x16000];
	s18 =	simm.s32 $0x10  }
.LBB2_8:
0x77: {  	p0 =	sne.s32 s18, $0x5FF0;
	v4 =	vld [tilespmem:s17+$0x0];
	_ =	sdelay $0x3  }
.Ltmp3:
0x78: {  	(pc) =	sbr.rel @p0 .LBB2_8-.Ltmp3, $3  }
0x79: {  	v3 =	vadd.f32 v3, v4;
	_ =	sdelay $0x1  }
0x7a: {  	s19 =	sand.u32 $0x7FF0, s18;
	[tilespmem:s17+$0x0] =	vst v3  }
0x7b: {  	s18 =	sadd.s32 $0x10, s18;
	s17 =	sadd.s32 $0x10, s17;
	v3 =	vld [tilespmem:s19+$0x16000]  }
0x7c: {  	v4 =	vld [tilespmem:s17+$0x0];
	_ =	sdelay $0x4  }
0x7d: {  	s2 =	sadd.s32 $0x1, s2;
	v3 =	vadd.f32 v3, v4  }
0x7e: {  	p0 =	sne.s32 s2, s9  }
.Ltmp4:
0x7f: {  	[tilespmem:s17+$0x0] =	vst v3;
	(pc) =	sbr.rel @p0 .LBB2_1-.Ltmp4, $4  }
0x80: {  	[hbm4b:s8+s10] =	stream.strided.scatter [tilespmem:s16], [sflag:$0x2], $0x6000, s13, s10, $0x38;
	[tilespmem:$0x1C000] =	vst v63  }
0x81: {  	_ =	swait.ge [sflag:s12], $0x6000  }
0x82: {  	[sflag:s12] =	ssyncset.done $0x0  }
0x83: {  	[sflag:s12] =	ssyncadd.s32 $0xFFFFA000  }
0x84: {  	_ =	sfence.sel $0x180000  }
0x85: {  	[bflag:$0x0] =	sbarrier.arrive $0xFFFF  }
0x86: {  	p0 =	sne.s32 s1, $0x0;
	_ =	strace $0x90000047  }
0x87: {  	s0 =	sadd.s32 @!p0 $0x100000, s0;
	[bflag:$0x2] =	sbarrier.arrive $0xFFFF  }
0x88: {  	[sflag:s0] =	ssyncadd.tile.s32 @!p0 $0x1;
	_ =	shalt  }
.Lfunc_end2:
_tile_overlayer_lowered:
.L_overlay_start_2:
0x89: {  	(tag) =	ssettag $0x2  }
0x8a: {  	s0 =	rddreg [dreg:$0x0];
	s2 =	stileid.u32  }
0x8b: {  	s1 =	rddreg [dreg:$0x1];
	p0 =	sne.s32 s2, $0x0  }
0x8c: {  	s3 =	rddreg [dreg:$0x2];
	[bflag:$0x3] =	sbarrier.arrive $0xFFFF;
	s2 =	simm.s32 @!p0 $0x1C02  }
0x8d: {  	[timem:s3], [sflag:s2] =	dma.local @!p0 [hbm:s0], s1  }
0x8e: {  	s0 =	simm.s32 @!p0 $0x2  }
0x8f: {  	_ =	swait.ge @!p0 [sflag:s0], s1  }
0x90: {  	s1 =	ssub.s32 @!p0 $0x0, s1;
	[sflag:s0] =	ssyncset.done @!p0 $0x0  }
0x91: {  	[sflag:s0] =	ssyncadd.s32 @!p0 s1  }
0x92: {  	[bflag:$0x3] =	sbarrier.arrive $0xFFFF  }
0x93: {  	_ =	shalt  }

</sc_bundles>
